<compile_context>
chip_gen: v7x
topology: tpu7x:2x2x1
jax: 0.10.2.dev20260603
libtpu: 0.0.44.dev20260713+nightly
codegen_flags: <defaults>
</compile_context>

<pallas_src>
import functools

import jax
import jax.numpy as jnp
from jax import lax
from jax.experimental import pallas as pl
from jax.experimental.pallas import tpu as pltpu
from jax.experimental.pallas import tpu_sc as plsc

_ALPHA = 0.01
_BR = 16
_NQ = 11
_W = 9088
_CA = _NQ * _W
_TAIL = 32
_NWORK = 32
_RPW = 1024 // _NWORK
_UP = 1.0 + _ALPHA
_DN = 1.0 / (1.0 + _ALPHA)


def _tc_body(lab_ref, *refs):
    x_ref = refs[0]
    tail_ref = refs[1]
    out1_ref, out2_ref, t1_ref, t2_ref = refs[2:]
    lab = lab_ref[...]
    one = jnp.float32(1.0)
    up = jnp.float32(_UP)
    dn = jnp.float32(_DN)
    x = x_ref[...]
    j = pl.program_id(1)
    cols = jax.lax.broadcasted_iota(jnp.int32, x.shape, 1) + j * _W
    m = cols == lab
    out1_ref[...] = x * jnp.where(m, up, one)
    out2_ref[...] = jnp.where(m, dn, one)
    t = tail_ref[...]
    cols = jax.lax.broadcasted_iota(jnp.int32, t.shape, 1) + _CA
    m = cols == lab
    t1_ref[...] = t * jnp.where(m, up, one)
    t2_ref[...] = jnp.where(m, dn, one)


def _sc_body(t1_hbm, t2_hbm, o1_hbm, o2_hbm, v1, v2):
    wid = lax.axis_index("s") * 2 + lax.axis_index("c")
    base = wid * _RPW
    pltpu.sync_copy(t1_hbm.at[pl.ds(base, _RPW), :], v1)
    pltpu.sync_copy(v1, o1_hbm.at[pl.ds(base, _RPW), pl.ds(_CA, _TAIL)])
    pltpu.sync_copy(t2_hbm.at[pl.ds(base, _RPW), :], v2)
    pltpu.sync_copy(v2, o2_hbm.at[pl.ds(base, _RPW), pl.ds(_CA, _TAIL)])


def kernel(logit, label):
    b, c = logit.shape
    lab2 = label.reshape(b, 1)
    tail = jax.lax.slice(logit, (0, _CA), (b, c))
    in_specs = [pl.BlockSpec((_BR, 1), lambda i, j: (i, 0))]
    in_specs += [pl.BlockSpec((_BR, _W), lambda i, j: (i, j))]
    in_specs += [pl.BlockSpec((_BR, _TAIL), lambda i, j: (i, 0))]
    out1, out2, t1, t2 = pl.pallas_call(
        _tc_body,
        grid=(b // _BR, _NQ),
        in_specs=in_specs,
        out_specs=(
            pl.BlockSpec((_BR, _W), lambda i, j: (i, j)),
            pl.BlockSpec((_BR, _W), lambda i, j: (i, j)),
            pl.BlockSpec((_BR, _TAIL), lambda i, j: (i, 0)),
            pl.BlockSpec((_BR, _TAIL), lambda i, j: (i, 0)),
        ),
        out_shape=(
            jax.ShapeDtypeStruct((b, c), jnp.float32),
            jax.ShapeDtypeStruct((b, c), jnp.float32),
            jax.ShapeDtypeStruct((b, _TAIL), jnp.float32),
            jax.ShapeDtypeStruct((b, _TAIL), jnp.float32),
        ),
    )(lab2, logit, tail)

    o1 = jax.new_ref(out1)
    o2 = jax.new_ref(out2)
    sc_fix = functools.partial(
        pl.kernel,
        out_type=(),
        mesh=plsc.VectorSubcoreMesh(core_axis_name="c", subcore_axis_name="s"),
        scratch_types=[
            pltpu.VMEM((_RPW, _TAIL), jnp.float32),
            pltpu.VMEM((_RPW, _TAIL), jnp.float32),
        ],
    )(_sc_body)
    sc_fix(t1, t2, o1, o2)
    return (o1[...], o2[...])

# --- scband reference (transcript-rebuilt; emitter-appended) ---
"""Pipeline reference for scband-lgmface-42142219109046 (READ-ONLY COPY).

The authoritative reference and input builder live on the scoring server;
editing this copy changes nothing except your own understanding.
"""

import jax, jax.numpy as jnp
import numpy as np

ALPHA = 0.01
B, C = 1024, 100000


def setup_inputs(seed: int = 0) -> dict:
    key = jax.random.key(seed)
    k1, k2 = jax.random.split(key)
    logit = jax.random.normal(k1, (B, C), dtype=jnp.float32)
    label = jax.random.randint(k2, (B,), 0, C, dtype=jnp.int32)
    return {"logit": logit, "label": label}


def reference(logit, label):
    # Faithful translation of LGMFace.forward.
    # torch: index = where(label != -1); m_hot = zeros(len(index), C).scatter_(1, label[index,None], alpha)
    #        logit[index] *= 1 + m_hot; return (logit, 1/(1+m_hot))
    # Rows with label == -1 get a zero m_hot row here, so multiplying by (1+m_hot)
    # leaves them unchanged, matching the in-place update on valid rows only.
    b, c = logit.shape
    mask = (label != -1)
    rows = jnp.arange(b)
    safe_label = jnp.where(mask, label, 0)
    vals = jnp.where(mask, jnp.float32(ALPHA), jnp.float32(0.0))
    m_hot = jnp.zeros((b, c), dtype=logit.dtype).at[rows, safe_label].set(vals)
    new_logit = logit * (1.0 + m_hot)
    return (new_logit, 1.0 / (1.0 + m_hot))

if __name__ == "__main__":
    import jax
    _d = setup_inputs()
    print(jax.jit(kernel)(*tuple(_d.values())))

</pallas_src>

<mosaic_0001>
#map = affine_map<(d0, d1) -> (0, 0)>
module attributes {stable_mosaic.version = 14 : i64} {
  func.func @new_body(%arg0: i32, %arg1: i32, %arg2: memref<1024x32xf32, #tpu.memory_space<hbm>>, %arg3: memref<1024x32xf32, #tpu.memory_space<hbm>>, %arg4: memref<1024x100000xf32, #tpu.memory_space<hbm>>, %arg5: memref<1024x100000xf32, #tpu.memory_space<hbm>>, %arg6: memref<1024x100000xf32, #tpu.memory_space<hbm>>, %arg7: memref<1024x100000xf32, #tpu.memory_space<hbm>>, %arg8: memref<32x32xf32, #tpu.memory_space<vmem>>, %arg9: memref<32x32xf32, #tpu.memory_space<vmem>>) attributes {dimension_semantics = [#tpu.dimension_semantics<core_parallel>, #tpu.dimension_semantics<subcore_parallel>], iteration_bounds = array<i64: 2, 16>, scalar_prefetch = 0 : i64, scratch_operands = 2 : i64, tpu.core_type = #tpu.core_type<sc_vector_subcore>, window_params = [{transform_indices = #map}, {transform_indices = #map}, {transform_indices = #map}, {transform_indices = #map}, {transform_indices = #map}, {transform_indices = #map}]} {
    %mul3A = arith.constant 2 : i32
    %mul3A_0 = arith.muli %arg1, %mul3A : i32
    %add3A = arith.addi %mul3A_0, %arg0 : i32
    %mul3A_1 = arith.constant 32 : i32
    %mul3A_2 = arith.muli %add3A, %mul3A_1 : i32
    "tpu.region"() ({
      %run_scoped3A = tpu.sem_alloc : memref<!tpu.dma_semaphore, #tpu.memory_space<semaphore_mem>>
      %dma_start3A = arith.constant 0 : i32
      %dma_start3A_3 = tpu.memref_slice %arg2[%mul3A_2, %dma_start3A] : memref<1024x32xf32, #tpu.memory_space<hbm>> -> memref<32x32xf32, #tpu.memory_space<hbm>>
      %dma_start3A_4 = arith.constant 0 : i32
      %dma_start3A_5 = tpu.memref_slice %arg2[%mul3A_2, %dma_start3A_4] : memref<1024x32xf32, #tpu.memory_space<hbm>> -> memref<32x32xf32, #tpu.memory_space<hbm>>
      tpu.enqueue_dma source(%dma_start3A_5 : memref<32x32xf32, #tpu.memory_space<hbm>>) target(%arg8 : memref<32x32xf32, #tpu.memory_space<vmem>>) target_semaphore(%run_scoped3A : memref<!tpu.dma_semaphore, #tpu.memory_space<semaphore_mem>>)
      %dma_wait3A = arith.constant 0 : i32
      %dma_wait3A_6 = tpu.memref_slice %arg2[%mul3A_2, %dma_wait3A] : memref<1024x32xf32, #tpu.memory_space<hbm>> -> memref<32x32xf32, #tpu.memory_space<hbm>>
      %dma_wait3A_7 = arith.constant 0 : i32
      %dma_wait3A_8 = tpu.memref_slice %arg2[%mul3A_2, %dma_wait3A_7] : memref<1024x32xf32, #tpu.memory_space<hbm>> -> memref<32x32xf32, #tpu.memory_space<hbm>>
      tpu.wait_dma2 semaphore(%run_scoped3A : memref<!tpu.dma_semaphore, #tpu.memory_space<semaphore_mem>>) src(%dma_wait3A_8 : memref<32x32xf32, #tpu.memory_space<hbm>>) dst(%arg8 : memref<32x32xf32, #tpu.memory_space<vmem>>)
      tpu.yield
    }) : () -> ()
    "tpu.region"() ({
      %run_scoped3A = tpu.sem_alloc : memref<!tpu.dma_semaphore, #tpu.memory_space<semaphore_mem>>
      %dma_start3A = arith.constant 99968 : i32
      %dma_start3A_3 = tpu.memref_slice %arg4[%mul3A_2, %dma_start3A] : memref<1024x100000xf32, #tpu.memory_space<hbm>> -> memref<32x32xf32, #tpu.memory_space<hbm>>
      %dma_start3A_4 = arith.constant 99968 : i32
      %dma_start3A_5 = tpu.memref_slice %arg4[%mul3A_2, %dma_start3A_4] : memref<1024x100000xf32, #tpu.memory_space<hbm>> -> memref<32x32xf32, #tpu.memory_space<hbm>>
      tpu.enqueue_dma source(%arg8 : memref<32x32xf32, #tpu.memory_space<vmem>>) target(%dma_start3A_5 : memref<32x32xf32, #tpu.memory_space<hbm>>) target_semaphore(%run_scoped3A : memref<!tpu.dma_semaphore, #tpu.memory_space<semaphore_mem>>)
      %dma_wait3A = arith.constant 99968 : i32
      %dma_wait3A_6 = tpu.memref_slice %arg4[%mul3A_2, %dma_wait3A] : memref<1024x100000xf32, #tpu.memory_space<hbm>> -> memref<32x32xf32, #tpu.memory_space<hbm>>
      %dma_wait3A_7 = arith.constant 99968 : i32
      %dma_wait3A_8 = tpu.memref_slice %arg4[%mul3A_2, %dma_wait3A_7] : memref<1024x100000xf32, #tpu.memory_space<hbm>> -> memref<32x32xf32, #tpu.memory_space<hbm>>
      tpu.wait_dma2 semaphore(%run_scoped3A : memref<!tpu.dma_semaphore, #tpu.memory_space<semaphore_mem>>) src(%arg8 : memref<32x32xf32, #tpu.memory_space<vmem>>) dst(%dma_wait3A_8 : memref<32x32xf32, #tpu.memory_space<hbm>>)
      tpu.yield
    }) : () -> ()
    "tpu.region"() ({
      %run_scoped3A = tpu.sem_alloc : memref<!tpu.dma_semaphore, #tpu.memory_space<semaphore_mem>>
      %dma_start3A = arith.constant 0 : i32
      %dma_start3A_3 = tpu.memref_slice %arg3[%mul3A_2, %dma_start3A] : memref<1024x32xf32, #tpu.memory_space<hbm>> -> memref<32x32xf32, #tpu.memory_space<hbm>>
      %dma_start3A_4 = arith.constant 0 : i32
      %dma_start3A_5 = tpu.memref_slice %arg3[%mul3A_2, %dma_start3A_4] : memref<1024x32xf32, #tpu.memory_space<hbm>> -> memref<32x32xf32, #tpu.memory_space<hbm>>
      tpu.enqueue_dma source(%dma_start3A_5 : memref<32x32xf32, #tpu.memory_space<hbm>>) target(%arg9 : memref<32x32xf32, #tpu.memory_space<vmem>>) target_semaphore(%run_scoped3A : memref<!tpu.dma_semaphore, #tpu.memory_space<semaphore_mem>>)
      %dma_wait3A = arith.constant 0 : i32
      %dma_wait3A_6 = tpu.memref_slice %arg3[%mul3A_2, %dma_wait3A] : memref<1024x32xf32, #tpu.memory_space<hbm>> -> memref<32x32xf32, #tpu.memory_space<hbm>>
      %dma_wait3A_7 = arith.constant 0 : i32
      %dma_wait3A_8 = tpu.memref_slice %arg3[%mul3A_2, %dma_wait3A_7] : memref<1024x32xf32, #tpu.memory_space<hbm>> -> memref<32x32xf32, #tpu.memory_space<hbm>>
      tpu.wait_dma2 semaphore(%run_scoped3A : memref<!tpu.dma_semaphore, #tpu.memory_space<semaphore_mem>>) src(%dma_wait3A_8 : memref<32x32xf32, #tpu.memory_space<hbm>>) dst(%arg9 : memref<32x32xf32, #tpu.memory_space<vmem>>)
      tpu.yield
    }) : () -> ()
    "tpu.region"() ({
      %run_scoped3A = tpu.sem_alloc : memref<!tpu.dma_semaphore, #tpu.memory_space<semaphore_mem>>
      %dma_start3A = arith.constant 99968 : i32
      %dma_start3A_3 = tpu.memref_slice %arg5[%mul3A_2, %dma_start3A] : memref<1024x100000xf32, #tpu.memory_space<hbm>> -> memref<32x32xf32, #tpu.memory_space<hbm>>
      %dma_start3A_4 = arith.constant 99968 : i32
      %dma_start3A_5 = tpu.memref_slice %arg5[%mul3A_2, %dma_start3A_4] : memref<1024x100000xf32, #tpu.memory_space<hbm>> -> memref<32x32xf32, #tpu.memory_space<hbm>>
      tpu.enqueue_dma source(%arg9 : memref<32x32xf32, #tpu.memory_space<vmem>>) target(%dma_start3A_5 : memref<32x32xf32, #tpu.memory_space<hbm>>) target_semaphore(%run_scoped3A : memref<!tpu.dma_semaphore, #tpu.memory_space<semaphore_mem>>)
      %dma_wait3A = arith.constant 99968 : i32
      %dma_wait3A_6 = tpu.memref_slice %arg5[%mul3A_2, %dma_wait3A] : memref<1024x100000xf32, #tpu.memory_space<hbm>> -> memref<32x32xf32, #tpu.memory_space<hbm>>
      %dma_wait3A_7 = arith.constant 99968 : i32
      %dma_wait3A_8 = tpu.memref_slice %arg5[%mul3A_2, %dma_wait3A_7] : memref<1024x100000xf32, #tpu.memory_space<hbm>> -> memref<32x32xf32, #tpu.memory_space<hbm>>
      tpu.wait_dma2 semaphore(%run_scoped3A : memref<!tpu.dma_semaphore, #tpu.memory_space<semaphore_mem>>) src(%arg9 : memref<32x32xf32, #tpu.memory_space<vmem>>) dst(%dma_wait3A_8 : memref<32x32xf32, #tpu.memory_space<hbm>>)
      tpu.yield
    }) : () -> ()
    return
  }
}

module attributes {stable_mosaic.version = 14 : i64} {
  func.func @_tc_body(%arg0: i32, %arg1: i32, %arg2: memref<16x1xi32, #tpu.memory_space<vmem>>, %arg3: memref<16x9088xf32, #tpu.memory_space<vmem>>, %arg4: memref<16x32xf32, #tpu.memory_space<vmem>>, %arg5: memref<16x9088xf32, #tpu.memory_space<vmem>>, %arg6: memref<16x9088xf32, #tpu.memory_space<vmem>>, %arg7: memref<16x32xf32, #tpu.memory_space<vmem>>, %arg8: memref<16x32xf32, #tpu.memory_space<vmem>>) attributes {dimension_semantics = [#tpu.dimension_semantics<arbitrary>, #tpu.dimension_semantics<arbitrary>], iteration_bounds = array<i64: 64, 11>, scalar_prefetch = 0 : i64, scratch_operands = 0 : i64, tpu.core_type = #tpu.core_type<tc>, window_params = [{transform_indices = @transform_0, window_bounds = array<i64: 16, 1>}, {transform_indices = @transform_1, window_bounds = array<i64: 16, 9088>}, {transform_indices = @transform_2, window_bounds = array<i64: 16, 32>}, {transform_indices = @transform_3, window_bounds = array<i64: 16, 9088>}, {transform_indices = @transform_4, window_bounds = array<i64: 16, 9088>}, {transform_indices = @transform_5, window_bounds = array<i64: 16, 32>}, {transform_indices = @transform_6, window_bounds = array<i64: 16, 32>}]} {
    %get3A = arith.constant 0 : index
    %get3A_0 = arith.constant 0 : index
    %get3A_1 = vector.load %arg2[%get3A, %get3A_0] : memref<16x1xi32, #tpu.memory_space<vmem>>, vector<16x1xi32>
    %get3A_2 = arith.constant 0 : index
    %get3A_3 = arith.constant 0 : index
    %get3A_4 = vector.load %arg3[%get3A_2, %get3A_3] : memref<16x9088xf32, #tpu.memory_space<vmem>>, vector<16x9088xf32>
    %iota3A = tpu.iota {dimensions = array<i32: 1>} : vector<16x9088xi32>
    %mul3A = arith.constant 9088 : i32
    %mul3A_5 = arith.muli %arg1, %mul3A : i32
    %add3A = vector.broadcast %mul3A_5 : i32 to vector<16x9088xi32>
    %add3A_6 = arith.addi %iota3A, %add3A : vector<16x9088xi32>
    %eq3A = vector.broadcast %get3A_1 : vector<16x1xi32> to vector<16x9088xi32>
    %eq3A_7 = arith.cmpi eq, %add3A_6, %eq3A : vector<16x9088xi32>
    %jit3A = arith.constant 1.010000e+00 : f32
    %jit3A_8 = arith.constant 1.000000e+00 : f32
    %broadcast_in_dim3A = vector.broadcast %jit3A : f32 to vector<16x9088xf32>
    %broadcast_in_dim3A_9 = vector.broadcast %jit3A_8 : f32 to vector<16x9088xf32>
    %select_n3A = arith.select %eq3A_7, %broadcast_in_dim3A, %broadcast_in_dim3A_9 : vector<16x9088xi1>, vector<16x9088xf32>
    %mul3A_10 = arith.mulf %get3A_4, %select_n3A : vector<16x9088xf32>
    %swap3A = arith.constant 0 : index
    %swap3A_11 = arith.constant 0 : index
    %swap3A_12 = vector.load %arg5[%swap3A, %swap3A_11] : memref<16x9088xf32, #tpu.memory_space<vmem>>, vector<16x9088xf32>
    tpu.vector_store %arg5[%swap3A, %swap3A_11], %mul3A_10 {strides = array<i32>} : memref<16x9088xf32, #tpu.memory_space<vmem>>, vector<16x9088xf32>,
    %jit3A_13 = arith.constant 9.900990e-01 : f32
    %jit3A_14 = arith.constant 1.000000e+00 : f32
    %broadcast_in_dim3A_15 = vector.broadcast %jit3A_13 : f32 to vector<16x9088xf32>
    %broadcast_in_dim3A_16 = vector.broadcast %jit3A_14 : f32 to vector<16x9088xf32>
    %select_n3A_17 = arith.select %eq3A_7, %broadcast_in_dim3A_15, %broadcast_in_dim3A_16 : vector<16x9088xi1>, vector<16x9088xf32>
    %swap3A_18 = arith.constant 0 : index
    %swap3A_19 = arith.constant 0 : index
    %swap3A_20 = vector.load %arg6[%swap3A_18, %swap3A_19] : memref<16x9088xf32, #tpu.memory_space<vmem>>, vector<16x9088xf32>
    tpu.vector_store %arg6[%swap3A_18, %swap3A_19], %select_n3A_17 {strides = array<i32>} : memref<16x9088xf32, #tpu.memory_space<vmem>>, vector<16x9088xf32>,
    %get3A_21 = arith.constant 0 : index
    %get3A_22 = arith.constant 0 : index
    %get3A_23 = vector.load %arg4[%get3A_21, %get3A_22] : memref<16x32xf32, #tpu.memory_space<vmem>>, vector<16x32xf32>
    %iota3A_24 = tpu.iota {dimensions = array<i32: 1>} : vector<16x32xi32>
    %add3A_25 = arith.constant 99968 : i32
    %add3A_26 = vector.broadcast %add3A_25 : i32 to vector<16x32xi32>
    %add3A_27 = arith.addi %iota3A_24, %add3A_26 : vector<16x32xi32>
    %eq3A_28 = vector.broadcast %get3A_1 : vector<16x1xi32> to vector<16x32xi32>
    %eq3A_29 = arith.cmpi eq, %add3A_27, %eq3A_28 : vector<16x32xi32>
    %jit3A_30 = arith.constant 1.010000e+00 : f32
    %jit3A_31 = arith.constant 1.000000e+00 : f32
    %broadcast_in_dim3A_32 = vector.broadcast %jit3A_30 : f32 to vector<16x32xf32>
    %broadcast_in_dim3A_33 = vector.broadcast %jit3A_31 : f32 to vector<16x32xf32>
    %select_n3A_34 = arith.select %eq3A_29, %broadcast_in_dim3A_32, %broadcast_in_dim3A_33 : vector<16x32xi1>, vector<16x32xf32>
    %mul3A_35 = arith.mulf %get3A_23, %select_n3A_34 : vector<16x32xf32>
    %swap3A_36 = arith.constant 0 : index
    %swap3A_37 = arith.constant 0 : index
    %swap3A_38 = vector.load %arg7[%swap3A_36, %swap3A_37] : memref<16x32xf32, #tpu.memory_space<vmem>>, vector<16x32xf32>
    tpu.vector_store %arg7[%swap3A_36, %swap3A_37], %mul3A_35 {strides = array<i32>} : memref<16x32xf32, #tpu.memory_space<vmem>>, vector<16x32xf32>,
    %jit3A_39 = arith.constant 9.900990e-01 : f32
    %jit3A_40 = arith.constant 1.000000e+00 : f32
    %broadcast_in_dim3A_41 = vector.broadcast %jit3A_39 : f32 to vector<16x32xf32>
    %broadcast_in_dim3A_42 = vector.broadcast %jit3A_40 : f32 to vector<16x32xf32>
    %select_n3A_43 = arith.select %eq3A_29, %broadcast_in_dim3A_41, %broadcast_in_dim3A_42 : vector<16x32xi1>, vector<16x32xf32>
    %swap3A_44 = arith.constant 0 : index
    %swap3A_45 = arith.constant 0 : index
    %swap3A_46 = vector.load %arg8[%swap3A_44, %swap3A_45] : memref<16x32xf32, #tpu.memory_space<vmem>>, vector<16x32xf32>
    tpu.vector_store %arg8[%swap3A_44, %swap3A_45], %select_n3A_43 {strides = array<i32>} : memref<16x32xf32, #tpu.memory_space<vmem>>, vector<16x32xf32>,
    return
  }
  func.func @transform_0(%arg0: i32, %arg1: i32) -> (i32, i32) {
    %c0_i32 = arith.constant 0 : i32
    %c0_i32_0 = arith.constant 0 : i32
    return %arg0, %c0_i32 : i32, i32
  }
  func.func @transform_1(%arg0: i32, %arg1: i32) -> (i32, i32) {
    %c0_i32 = arith.constant 0 : i32
    return %arg0, %arg1 : i32, i32
  }
  func.func @transform_2(%arg0: i32, %arg1: i32) -> (i32, i32) {
    %c0_i32 = arith.constant 0 : i32
    %c0_i32_0 = arith.constant 0 : i32
    return %arg0, %c0_i32 : i32, i32
  }
  func.func @transform_3(%arg0: i32, %arg1: i32) -> (i32, i32) {
    %c0_i32 = arith.constant 0 : i32
    return %arg0, %arg1 : i32, i32
  }
  func.func @transform_4(%arg0: i32, %arg1: i32) -> (i32, i32) {
    %c0_i32 = arith.constant 0 : i32
    return %arg0, %arg1 : i32, i32
  }
  func.func @transform_5(%arg0: i32, %arg1: i32) -> (i32, i32) {
    %c0_i32 = arith.constant 0 : i32
    %c0_i32_0 = arith.constant 0 : i32
    return %arg0, %c0_i32 : i32, i32
  }
  func.func @transform_6(%arg0: i32, %arg1: i32) -> (i32, i32) {
    %c0_i32 = arith.constant 0 : i32
    %c0_i32_0 = arith.constant 0 : i32
    return %arg0, %c0_i32 : i32, i32
  }
}

</mosaic_0001>

<sc_bundles>
// kernel: kernel.4.cloned.1.call-start
scs
__scs_entry_jumppad:
0x0: {  	(pc) =	sbr.rel $0x88, $3  }
0x1: {  	(tag) =	ssettag $0x0;
	lr =	simm.s32 $0x1  }
0x2: {  	[smem:$0x3F9F] =	sst lr;
	_ =	strace $0xD0000000  }
0x3: {  	_ = 	snop  }
0x4: {  	_ = 	snop  }
0x5: {  	_ = 	snop  }
0x6: {  	_ = 	snop  }
0x7: {  	_ = 	snop  }
__scs_overlays_trampoline_lowered:
0x8: {  	[smem:$0x3FAE] =	sst s0  }
0x9: {  	[smem:$0x3FAF] =	sst s1  }
0xa: {  	[smem:$0x3FB0] =	sst s2  }
0xb: {  	[smem:$0x3FB1] =	sst s3  }
0xc: {  	[smem:$0x3FB2] =	sst s4  }
0xd: {  	[smem:$0x3FB3] =	sst s5  }
0xe: {  	[smem:$0x3FB4] =	sst s6  }
0xf: {  	[smem:$0x3FB5] =	sst s7  }
0x10: {  	[smem:$0x3FB6] =	sst s8  }
0x11: {  	[smem:$0x3FB7] =	sst s9;
	s0 =	simm.s32 @!p0 $0x0  }
0x12: {  	s1 =	sld [smem:$0x3F9D];
	s0 =	simm.s32 @p0 $0x1  }
0x13: {  	[smem:$0x3FB8] =	sst s0;
	s0 =	simm.s32 @!p1 $0x0  }
0x14: {  	s2 =	sld [smem:$0x3F9C];
	s0 =	simm.s32 @p1 $0x1  }
0x15: {  	[smem:$0x3FB9] =	sst s0;
	s0 =	simm.s32 @!p2 $0x0  }
0x16: {  	s3 =	sld [smem:$0x3FDB];
	s0 =	simm.s32 @p2 $0x1  }
0x17: {  	s4 =	simm.s32 $0x1BF5;
	[smem:$0x3FBB] =	sst s0  }
0x18: {  	s0 =	sld [smem:$0x3F9E];
	_ =	swait.ge [sflag:s4], $0x0  }
0x19: {  	s7 =	sld [smem:$0x3F9F]  }
0x1a: {  	s8 =	sadd.s32 $0xFFFFE003, lr  }
0x1b: {  	s9 =	sadd.s32 $0xFFFFFEF7, lr;
	s5 =	simm.s32 $0xFFFFFFFF;
	p2 =	slt.u32 s8, $0xFFFFF086  }
0x1c: {  	p1 =	slt.u32 s9, $0xF7A;
	s5 =	simm.s32 @!p2 $0x0  }
0x1d: {  	s5 =	simm.s32 @p1 $0x1;
	p0 =	seq.s32 s7, s2  }
0x1e: {  	s7 =	smul.u32 @!p0 $0xF7A, s2;
	p2 =	seq.s32 @!p0 s5, $0x0  }
0x1f: {  	s9 =	smul.u32 $0xF7A, s1;
	s8 =	simm.s32 @!p0 $0x1BF5;
	p2 =	por !p2, p0  }
0x20: {  	[sflag:s8] =	ssyncset.s32 @!p0 $0xFFFFF086;
	s6 =	sadd.s32 @!p0 s3, s7;
	s7 =	simm.s32 @!p0 $0x108  }
0x21: {  	s3 =	sadd.s32 s3, s9;
	s6 =	sadd.s32 @!p0 $0x88, s6;
	s7 =	simm.s32 @p2 $0x1082  }
0x22: {  	[simem:s7], [sflag:s8] =	dma.local @!p0 [hbm:s6], $0xF7A  }
0x23: {  	s9 =	sor.u32 $0xD0000000, s2;
	s6 =	simm.s32 $0x108;
	_ =	swait.ge @!p0 [sflag:s8], $0x0  }
0x24: {  	s3 =	sadd.s32 $0x88, s3;
	s6 =	simm.s32 @!p1 $0x1082;
	[sflag:s4] =	ssyncset.s32 $0xFFFFF086  }
0x25: {  	[simem:s6], [sflag:s4] =	dma.local [hbm:s3], $0xF7A  }
0x26: {  	[smem:$0x3F9F] =	sst s1;
	(tag) =	ssettag s2;
	_ =	strace s9  }
0x27: {  	s1 =	sld [smem:$0x3FAF]  }
0x28: {  	s2 =	sld [smem:$0x3FB0]  }
0x29: {  	s4 =	sld [smem:$0x3FB2]  }
0x2a: {  	p0 =	seq.s32 s5, $0x0;
	s5 =	sld [smem:$0x3FB3]  }
0x2b: {  	s6 =	sld [smem:$0x3FB4]  }
0x2c: {  	s7 =	sld [smem:$0x3FB5]  }
0x2d: {  	s3 =	simm.s32 $0x108;
	s8 =	sld [smem:$0x3FB6]  }
0x2e: {  	s3 =	simm.s32 @!p0 $0x1082;
	s9 =	sld [smem:$0x3FB7]  }
0x2f: {  	lr =	sadd.s32 s0, s3;
	s0 =	sld [smem:$0x3FAE]  }
0x30: {  	s3 =	sld [smem:$0x3FB1]  }
0x31: {  	[smem:$0x3FBA] =	sst s10  }
0x32: {  	s10 =	sld [smem:$0x3FB8];
	_ =	sdelay $0x3  }
0x33: {  	p0 =	seq.s32 s10, $0x1;
	s10 =	sld [smem:$0x3FBA];
	_ =	sdelay $0x3  }
0x34: {  	[smem:$0x3FBA] =	sst s10  }
0x35: {  	s10 =	sld [smem:$0x3FB9];
	_ =	sdelay $0x3  }
0x36: {  	p1 =	seq.s32 s10, $0x1;
	s10 =	sld [smem:$0x3FBA];
	_ =	sdelay $0x3  }
0x37: {  	[smem:$0x3FBA] =	sst s10  }
0x38: {  	s10 =	sld [smem:$0x3FBB]  }
0x39: {  	_ = 	snop;
	(pc) =	sbr.ind lr, $3  }
0x3a: {  	_ = 	snop  }
0x3b: {  	_ = 	snop  }
0x3c: {  	p2 =	seq.s32 s10, $0x1;
	s10 =	sld [smem:$0x3FBA]  }
0x3d: {  	_ =	shalt  }
0x3e: {  	_ =	shalt  }
0x3f: {  	_ =	shalt  }
0x40: {  	_ =	shalt  }
0x41: {  	_ =	shalt  }
0x42: {  	_ =	shalt  }
0x43: {  	_ =	shalt  }
0x44: {  	_ =	shalt  }
0x45: {  	_ =	shalt  }
0x46: {  	_ =	shalt  }
0x47: {  	_ =	shalt  }
0x48: {  	_ =	shalt  }
0x49: {  	_ =	shalt  }
0x4a: {  	_ =	shalt  }
0x4b: {  	_ =	shalt  }
0x4c: {  	_ =	shalt  }
0x4d: {  	_ =	shalt  }
0x4e: {  	_ =	shalt  }
0x4f: {  	_ =	shalt  }
0x50: {  	_ =	shalt  }
0x51: {  	_ =	shalt  }
0x52: {  	_ =	shalt  }
0x53: {  	_ =	shalt  }
0x54: {  	_ =	shalt  }
0x55: {  	_ =	shalt  }
0x56: {  	_ =	shalt  }
0x57: {  	_ =	shalt  }
0x58: {  	_ =	shalt  }
0x59: {  	_ =	shalt  }
0x5a: {  	_ =	shalt  }
0x5b: {  	_ =	shalt  }
0x5c: {  	_ =	shalt  }
0x5d: {  	_ =	shalt  }
0x5e: {  	_ =	shalt  }
0x5f: {  	_ =	shalt  }
0x60: {  	_ =	shalt  }
0x61: {  	_ =	shalt  }
0x62: {  	_ =	shalt  }
0x63: {  	_ =	shalt  }
0x64: {  	_ =	shalt  }
0x65: {  	_ =	shalt  }
0x66: {  	_ =	shalt  }
0x67: {  	_ =	shalt  }
0x68: {  	_ =	shalt  }
0x69: {  	_ =	shalt  }
0x6a: {  	_ =	shalt  }
0x6b: {  	_ =	shalt  }
0x6c: {  	_ =	shalt  }
0x6d: {  	_ =	shalt  }
0x6e: {  	_ =	shalt  }
0x6f: {  	_ =	shalt  }
0x70: {  	_ =	shalt  }
0x71: {  	_ =	shalt  }
0x72: {  	_ =	shalt  }
0x73: {  	_ =	shalt  }
0x74: {  	_ =	shalt  }
0x75: {  	_ =	shalt  }
0x76: {  	_ =	shalt  }
0x77: {  	_ =	shalt  }
0x78: {  	_ =	shalt  }
0x79: {  	_ =	shalt  }
0x7a: {  	_ =	shalt  }
0x7b: {  	_ =	shalt  }
0x7c: {  	_ =	shalt  }
0x7d: {  	_ =	shalt  }
0x7e: {  	_ =	shalt  }
0x7f: {  	_ =	shalt  }
0x80: {  	_ =	shalt  }
0x81: {  	_ =	shalt  }
0x82: {  	_ =	shalt  }
0x83: {  	_ =	shalt  }
0x84: {  	_ =	shalt  }
0x85: {  	_ =	shalt  }
0x86: {  	_ =	shalt  }
0x87: {  	_ =	shalt  }
.Lfunc_end0:
.L_simem_size_0:
called_computation_lowered:
.L_overlay_start_0:
0x88: {  	s2 =	sld [smem:$0x3FD9]  }
0x89: {  	s3 =	sld [smem:$0x3FFE];
	_ =	sdelay $0x1  }
0x8a: {  	s1 =	srdreg.scid  }
0x8b: {  	s0 =	sand.u32 $0x1, s1  }
0x8c: {  	s14 =	sshll.u32 s0, $0xA;
	s2 =	sadd.s32 s3, s2  }
0x8d: {  	s2 =	sadd.s32 s2, s14  }
0x8e: {  	[smem:$0x3FC6] =	sst s2  }
0x8f: {  	_ = 	snop  }
0x90: {  	s2 =	sld [smem:$0x3FD0];
	_ =	sdelay $0x2  }
0x91: {  	s15 =	simm.s32 $0xA;
	s4 =	simm.s32 $0x10  }
0x92: {  	[smem:s4], [sflag:s15] =	dma.local [hbm:s2], $0x1  }
0x93: {  	_ =	swait.eq [sflag:s15], $0x1  }
0x94: {  	[sflag:s15] =	ssyncset.done $0x0  }
0x95: {  	s16 =	sld [smem:$0x10];
	[sflag:s15] =	ssyncadd.s32 $0xFFFFFFFF  }
0x96: {  	s17 =	sld [smem:$0x11];
	(tm) =	ssettm $0x1  }
0x97: {  	s18 =	sld [smem:$0x3FFB];
	_ =	sdelay $0x3  }
0x98: {  	_ =	strace s18  }
0x99: {  	s4 =	sld [smem:$0x3FFC];
	_ =	sdelay $0x3  }
0x9a: {  	_ =	strace s4  }
0x9b: {  	s4 =	sld [smem:$0x3FFD];
	_ =	sdelay $0x3  }
0x9c: {  	_ =	strace s4  }
0x9d: {  	_ =	strace $0x8FFFFFFF  }
0x9e: {  	s19 =	sld [smem:$0x3FDB];
	_ =	sdelay $0x1  }
0x9f: {  	s5 =	simm.s32 $_scs_section_size  }
0xa0: {  	s6 =	simm.s32 $_size__tile_overlayer_lowered;
	s7 =	simm.s32 $_tile_overlayer_lowered  }
0xa1: {  	s22 =	simm.s32 $0x1BFF;
	s21 =	sshll.u32 s7, $0x1;
	s4 =	sadd.s32 s5, s19  }
0xa2: {  	s8 =	simm.s32 $0x0;
	s20 =	sshll.u32 s6, $0x1;
	s6 =	sadd.s32 s21, s4  }
0xa3: {  	[timem:s8], [sflag:s22] =	dma.local [hbm:s6], s20  }
0xa4: {  	_ =	swait.ge [sflag:s22], s20  }
0xa5: {  	s5 =	ssub.s32 $0x0, s20;
	[sflag:s22] =	ssyncset.done $0x0  }
0xa6: {  	[sflag:s22] =	ssyncadd.s32 s5;
	_ =	sdelay $0x1  }
0xa7: {  	s23 =	simm.s32 $0x1B8B  }
0xa8: {  	_ =	swait.ge [sflag:s23], $0x1  }
0xa9: {  	[sflag:s23] =	ssyncset.done $0x0  }
0xaa: {  	s25 =	simm.s32 $0x1B8E;
	s24 =	sld [smem:$0x3FFE];
	[sflag:s23] =	ssyncadd.s32 $0xFFFFFFFF  }
0xab: {  	s26 =	simm.s32 $execute0_lowered;
	[smem:$0x3FD2] =	sst s25  }
0xac: {  	s6 =	sshll.u32 s26, $0x1;
	_ =	strace $0x80000046;
	[dreg:$0x1] =	wrdreg $0xFFFFFFFF  }
0xad: {  	s28 =	simm.s32 $_size_execute0_lowered;
	s4 =	sadd.s32 s4, s6;
	[dreg:$0x0] =	wrdreg $0x0  }
0xae: {  	s6 =	sshll.u32 s28, $0x1;
	[dreg:$0x2] =	wrdreg s4  }
0xaf: {  	[dreg:$0x3] =	wrdreg s6  }
0xb0: {  	[dreg:$0x4] =	wrdreg $0xC0  }
0xb1: {  	_ =	task [dreg:s8], $0x5FFFF  }
0xb2: {  	[dreg:$0x1] =	wrdreg $0xFFFFFFFF  }
0xb3: {  	[dreg:$0x0] =	wrdreg $0x60  }
0xb4: {  	[dreg:$0x2] =	wrdreg s17  }
0xb5: {  	[dreg:$0x3] =	wrdreg s16  }
0xb6: {  	[dreg:$0x4] =	wrdreg s24  }
0xb7: {  	[dreg:$0x5] =	wrdreg $0x9  }
0xb8: {  	_ =	task.clear_ibuf [dreg:s8], $0x6FFFF;
	_ =	strace $0x90000046  }
0xb9: {  	s29 =	simm.s32 $0x9;
	_ =	strace $0x80000048  }
0xba: {  	_ =	swait.ge [sflag:s29], $0x1  }
0xbb: {  	[sflag:s29] =	ssyncadd.s32 $0xFFFFFFFF  }
0xbc: {  	_ =	strace $0x90000048  }
0xbd: {  	_ =	sfence  }
0xbe: {  	s30 =	sld [smem:$0x0];
	_ =	sdelay $0x2  }
0xbf: {  	s31 =	sshll.u32 s1, $0xD;
	s1 =	sshrl.u32 s1, $0x2  }
0xc0: {  	s3 =	sand.u32 $0x4000, s31;
	s1 =	sadd.s32 s1, s30  }
0xc1: {  	s0 =	sor.u32 s3, s0;
	s1 =	sshll.u32 s1, $0x11  }
0xc2: {  	s0 =	sor.u32 s1, s0  }
0xc3: {  	s0 =	sadd.s32 $0x8F2B, s0  }
0xc4: {  	[sflag:s0] =	ssyncadd.remote.s32 $0x1  }
0xc5: {  	_ =	sfence.sel $0xFFFF  }
0xc6: {  	[dreg:$0x0] =	wrdreg $0xFFFFFFFF;
	(pc) =	sbr.abs _section_cstart, $3  }
0xc7: {  	[dreg:$0x1] =	wrdreg $0xFFFFFFFF  }
0xc8: {  	_ =	task.clear_ibuf [dreg:s8], $0x2FFFF;
	_ =	strace $0x9FFFFFFF  }
0xc9: {  	(tm) =	ssettm $0x7FFFFFFF  }
tec
execute0_lowered:
.L_overlay_start_1:
0x0: {  	(tag) =	ssettag $0x1  }
0x1: {  	s1 =	srdreg.scid  }
0x2: {  	s3 =	rddreg [dreg:$0x0];
	s0 =	stileid.u32;
	s8 =	sand.u32 $0x1, s1  }
0x3: {  	s9 =	rddreg [dreg:$0x1];
	s29 =	sshll.u32 s0, $0x6;
	s2 =	sshll.u32 s8, $0x5  }
0x4: {  	s5 =	rddreg [dreg:$0x2];
	s4 =	sor.u32 s2, s29  }
0x5: {  	s1 =	rddreg [dreg:$0x3];
	s2 =	simm.s32 $0x0;
	s6 =	sshrl.u32 s4, $0x3  }
0x6: {  	[smem:$0x7FF] =	sst s2;
	s10 =	sshll.u32 s4, $0x4;
	s4 =	simm.s32 $0x1  }
0x7: {  	s6 =	smul.u32 $0xC3800, s6;
	_ =	strace $0x80000047;
	s3 =	sadd.s32 s3, s10  }
0x8: {  	[tilespmem:s2], [sflag:$0x1] =	stream.linear.gather [hbm4b:s3+s2], $0x1000, $0x38;
	[tilespmem:$0x2000] =	vst v63  }
0x9: {  	s7 =	simm.s32 $0xC3800;
	s6 =	sshrl.u32 s6, $0x3;
	_ =	swait.ge [sflag:s4], $0x1000  }
0xa: {  	s12 =	ssub.s32 $0x2, s8;
	s11 =	sadd.s32 s5, s6;
	[sflag:s4] =	ssyncset.done $0x0  }
0xb: {  	s6 =	simm.s32 $0x400;
	s5 =	sadd.s32 $0xC51680, s11;
	[sflag:s4] =	ssyncadd.s32 $0xFFFFF000  }
0xc: {  	[hbm4b:s5+s6] =	stream.strided.scatter [tilespmem:s2], [sflag:$0x1], $0x1000, s7, s6, $0x38;
	[tilespmem:$0x2000] =	vst v63  }
0xd: {  	s30 =	sshrl.u32 s12, $0x1;
	_ =	swait.ge [sflag:s4], $0x1000  }
0xe: {  	s12 =	ssub.s32 s12, s30;
	s8 =	sadd.s32 s9, s10;
	[sflag:s4] =	ssyncset.done $0x0  }
0xf: {  	s9 =	simm.s32 $0x1000;
	s31 =	smax.u32 s12, $0x1;
	[sflag:s4] =	ssyncadd.s32 $0xFFFFF000  }
0x10: {  	[tilespmem:s9], [sflag:$0x1] =	stream.linear.gather [hbm4b:s8+s2], $0x1000, $0x38;
	[tilespmem:$0x2000] =	vst v63  }
0x11: {  	p0 =	sne.s32 s31, $0x1;
	_ =	swait.ge [sflag:s4], $0x1000  }
.Ltmp0:
0x12: {  	[sflag:s4] =	ssyncset.done $0x0;
	(pc) =	sbr.rel @!p0 .LBB2_2-.Ltmp0, $4  }
0x13: {  	s10 =	sadd.s32 $0x1889680, s11;
	[sflag:s4] =	ssyncadd.s32 $0xFFFFF000  }
0x14: {  	[hbm4b:s10+s6] =	stream.strided.scatter [tilespmem:s9], [sflag:$0x1], $0x1000, s7, s6, $0x38;
	[tilespmem:$0x2000] =	vst v63  }
0x15: {  	_ =	swait.ge [sflag:s4], $0x1000  }
0x16: {  	s11 =	sadd.s32 $0xFFFFFFFF, s31;
	[sflag:s4] =	ssyncset.done $0x0  }
.LBB2_1:
0x17: {  	p0 =	sne.s32 s11, $0x1;
	s11 =	sadd.s32 $0xFFFFFFFF, s11;
	[sflag:s4] =	ssyncadd.s32 $0xFFFFF000  }
0x18: {  	[tilespmem:s2], [sflag:$0x1] =	stream.linear.gather [hbm4b:s3+s2], $0x1000, $0x38;
	[tilespmem:$0x2000] =	vst v63  }
0x19: {  	_ =	swait.ge [sflag:s4], $0x1000  }
0x1a: {  	[sflag:s4] =	ssyncset.done $0x0  }
0x1b: {  	[sflag:s4] =	ssyncadd.s32 $0xFFFFF000  }
0x1c: {  	[hbm4b:s5+s6] =	stream.strided.scatter [tilespmem:s2], [sflag:$0x1], $0x1000, s7, s6, $0x38;
	[tilespmem:$0x2000] =	vst v63  }
0x1d: {  	_ =	swait.ge [sflag:s4], $0x1000  }
0x1e: {  	[sflag:s4] =	ssyncset.done $0x0  }
0x1f: {  	[sflag:s4] =	ssyncadd.s32 $0xFFFFF000  }
0x20: {  	[tilespmem:s9], [sflag:$0x1] =	stream.linear.gather [hbm4b:s8+s2], $0x1000, $0x38;
	[tilespmem:$0x2000] =	vst v63  }
0x21: {  	_ =	swait.ge [sflag:s4], $0x1000  }
.Ltmp1:
0x22: {  	[sflag:s4] =	ssyncset.done $0x0;
	(pc) =	sbr.rel @p0 .LBB2_1-.Ltmp1, $4  }
0x23: {  	[sflag:s4] =	ssyncadd.s32 $0xFFFFF000  }
0x24: {  	[hbm4b:s10+s6] =	stream.strided.scatter [tilespmem:s9], [sflag:$0x1], $0x1000, s7, s6, $0x38;
	[tilespmem:$0x2000] =	vst v63  }
0x25: {  	_ =	swait.ge [sflag:s4], $0x1000  }
0x26: {  	[sflag:s4] =	ssyncset.done $0x0  }
.LBB2_2:
0x27: {  	[sflag:s4] =	ssyncadd.s32 $0xFFFFF000  }
0x28: {  	_ =	sfence.sel $0x180000  }
0x29: {  	[bflag:$0x0] =	sbarrier.arrive $0xFFFF  }
0x2a: {  	p0 =	sne.s32 s0, $0x0;
	_ =	strace $0x90000047  }
0x2b: {  	s0 =	sadd.s32 @!p0 $0x100000, s1;
	[bflag:$0x2] =	sbarrier.arrive $0xFFFF  }
0x2c: {  	[sflag:s0] =	ssyncadd.tile.s32 @!p0 $0x1;
	_ =	shalt  }
.Lfunc_end2:
_tile_overlayer_lowered:
.L_overlay_start_2:
0x2d: {  	(tag) =	ssettag $0x2  }
0x2e: {  	s0 =	rddreg [dreg:$0x0];
	s2 =	stileid.u32  }
0x2f: {  	s1 =	rddreg [dreg:$0x1];
	p0 =	sne.s32 s2, $0x0  }
0x30: {  	s3 =	rddreg [dreg:$0x2];
	[bflag:$0x3] =	sbarrier.arrive $0xFFFF;
	s2 =	simm.s32 @!p0 $0x1C01  }
0x31: {  	[timem:s3], [sflag:s2] =	dma.local @!p0 [hbm:s0], s1  }
0x32: {  	s0 =	simm.s32 @!p0 $0x1  }
0x33: {  	_ =	swait.ge @!p0 [sflag:s0], s1  }
0x34: {  	s1 =	ssub.s32 @!p0 $0x0, s1;
	[sflag:s0] =	ssyncset.done @!p0 $0x0  }
0x35: {  	[sflag:s0] =	ssyncadd.s32 @!p0 s1  }
0x36: {  	[bflag:$0x3] =	sbarrier.arrive $0xFFFF  }
0x37: {  	_ =	shalt  }

</sc_bundles>
